<compile_context>
chip_gen: v7x
topology: tpu7x:2x2x1
jax: 0.10.2.dev20260603
libtpu: 0.0.44.dev20260713+nightly
codegen_flags: <defaults>
</compile_context>

<pallas_src>
import functools

import jax
import jax.numpy as jnp
from jax import lax
from jax.experimental import pallas as pl
from jax.experimental.pallas import tpu as pltpu
from jax.experimental.pallas import tpu_sc as plsc

_NC = 2
_NS = 16
_NW = _NC * _NS


def _mm_body(n_ref, w_ref, b_ref, h_ref):
    h_ref[...] = (
        jnp.dot(n_ref[...], w_ref[...], preferred_element_type=jnp.float32)
        + b_ref[...]
    )


def _fin_body(p_ref, c_ref, h_ref, o_ref):
    s = p_ref[0] + p_ref[1] + h_ref[...]
    cnt = c_ref[0, :, 0:1] + c_ref[1, :, 0:1] + 1.0
    x = s / cnt
    o_ref[...] = jnp.where(x >= 0.0, x, 0.01 * x)


@functools.lru_cache(maxsize=None)
def _make_sc_agg(n, proj, ch, chunk):
    rpt = n // _NS

    def body(h_hbm, snd_hbm, rcv_hbm, z64_hbm, z16_hbm, ones_hbm,
             part_hbm, cnt_hbm,
             s_v, r_v, rows_v, ones_v, acc_sh, cnt_sh, sem):
        cid = lax.axis_index("c")
        sid = lax.axis_index("s")
        wid = sid * _NC + cid

        pltpu.sync_copy(z64_hbm, acc_sh.at[pl.ds(sid * rpt, rpt)])
        pltpu.sync_copy(z16_hbm, cnt_sh.at[pl.ds(sid * rpt, rpt)])
        pltpu.sync_copy(snd_hbm.at[wid], s_v)
        pltpu.sync_copy(rcv_hbm.at[wid], r_v)
        pltpu.sync_copy(ones_hbm, ones_v)
        plsc.subcore_barrier()

        @pl.loop(0, ch)
        def _(j):
            pltpu.async_copy(h_hbm.at[s_v.at[j]], rows_v, sem).wait()
            pltpu.sync_copy(rows_v, acc_sh.at[r_v.at[j]], add=True)
            pltpu.sync_copy(ones_v, cnt_sh.at[r_v.at[j]], add=True)

        plsc.subcore_barrier()
        pltpu.sync_copy(acc_sh.at[pl.ds(sid * rpt, rpt)],
                        part_hbm.at[cid, pl.ds(sid * rpt, rpt)])
        pltpu.sync_copy(cnt_sh.at[pl.ds(sid * rpt, rpt)],
                        cnt_hbm.at[cid, pl.ds(sid * rpt, rpt)])

    return pl.kernel(
        body,
        out_type=[
            jax.ShapeDtypeStruct((_NC, n, proj), jnp.float32),
            jax.ShapeDtypeStruct((_NC, n, 16), jnp.float32),
        ],
        mesh=plsc.VectorSubcoreMesh(core_axis_name="c", subcore_axis_name="s"),
        scratch_types=[
            pltpu.VMEM((ch, chunk), jnp.int32),
            pltpu.VMEM((ch, chunk), jnp.int32),
            pltpu.VMEM((chunk, proj), jnp.float32),
            pltpu.VMEM((chunk, 16), jnp.float32),
            pltpu.VMEM_SHARED((n, proj), jnp.float32),
            pltpu.VMEM_SHARED((n, 16), jnp.float32),
            pltpu.SemaphoreType.DMA,
        ],
        compiler_params=pltpu.CompilerParams(use_tc_tiling_on_sc=False),
    )


def kernel(nodes, edges, senders, receivers, copy_arr, Wq, bq, W1, b1, g1,
           be1, W2, b2, g2, be2, W3, b3, g3, be3):
    n, _ = nodes.shape
    proj = Wq.shape[1]
    e = senders.shape[0]
    ept = e // _NW
    chunk = 80
    ch = ept // chunk

    h = pl.pallas_call(
        _mm_body,
        out_shape=jax.ShapeDtypeStruct((n, proj), jnp.float32),
    )(nodes, Wq, bq.reshape(1, proj))

    snd = senders.reshape(_NW, ch, chunk)
    rcv = receivers.reshape(_NW, ch, chunk)
    z64 = jnp.zeros((n // _NS, proj), jnp.float32)
    z16 = jnp.zeros((n // _NS, 16), jnp.float32)
    ones = jnp.ones((chunk, 16), jnp.float32)

    part, cnt = _make_sc_agg(n, proj, ch, chunk)(h, snd, rcv, z64, z16, ones)

    out = pl.pallas_call(
        _fin_body,
        out_shape=jax.ShapeDtypeStruct((n, proj), jnp.float32),
    )(part, cnt, h)
    return out

# --- scband reference (transcript-rebuilt; emitter-appended) ---
"""Pipeline reference for scband-graph-attention-network-62749472195037 (READ-ONLY COPY).

The authoritative reference and input builder live on the scoring server;
editing this copy changes nothing except your own understanding.
"""

import jax, jax.numpy as jnp
import numpy as np

N_NODES = 10000
N_EDGES = 320000
D_FEAT = 128
D_EDGE = 16
PROJ = 64
FEATS = 64


def _he(key, shape):
    fan_in = shape[0]
    return jax.random.normal(key, shape, dtype=jnp.float32) * jnp.sqrt(2.0 / fan_in)


def setup_inputs(seed: int = 0) -> dict:
    key = jax.random.key(seed)
    ks = jax.random.split(key, 16)
    nodes = jax.random.normal(ks[0], (N_NODES, D_FEAT), dtype=jnp.float32)
    edges = jax.random.normal(ks[1], (N_EDGES, D_EDGE), dtype=jnp.float32)
    senders = jax.random.randint(ks[2], (N_EDGES,), 0, N_NODES, dtype=jnp.int32)
    receivers = jax.random.randint(ks[3], (N_EDGES,), 0, N_NODES, dtype=jnp.int32)
    copy_arr = jnp.zeros((N_NODES, D_FEAT), dtype=jnp.float32)
    cat = 2 * PROJ + D_EDGE
    return dict(
        nodes=nodes, edges=edges, senders=senders, receivers=receivers, copy_arr=copy_arr,
        Wq=_he(ks[4], (D_FEAT, PROJ)), bq=jnp.zeros((PROJ,), jnp.float32),
        W1=_he(ks[5], (cat, FEATS)), b1=jnp.zeros((FEATS,), jnp.float32),
        g1=jnp.ones((FEATS,), jnp.float32), be1=jnp.zeros((FEATS,), jnp.float32),
        W2=_he(ks[6], (FEATS, FEATS)), b2=jnp.zeros((FEATS,), jnp.float32),
        g2=jnp.ones((FEATS,), jnp.float32), be2=jnp.zeros((FEATS,), jnp.float32),
        W3=_he(ks[7], (FEATS, 1)), b3=jnp.zeros((1,), jnp.float32),
        g3=jnp.ones((1,), jnp.float32), be3=jnp.zeros((1,), jnp.float32),
    )


def _layer_norm(x, scale, bias, eps=1e-6):
    mean = jnp.mean(x, axis=-1, keepdims=True)
    var = jnp.var(x, axis=-1, keepdims=True)
    return (x - mean) * jax.lax.rsqrt(var + eps) * scale + bias


def _segment_softmax(logits, seg, num_segments):
    maxs = jax.ops.segment_max(logits, seg, num_segments=num_segments)
    shifted = logits - maxs[seg]
    e = jnp.exp(shifted)
    s = jax.ops.segment_sum(e, seg, num_segments=num_segments)
    return e / s[seg]


def reference(nodes, edges, senders, receivers, copy_arr, Wq, bq, W1, b1, g1, be1, W2, b2, g2, be2, W3, b3, g3, be3):
    n = nodes.shape[0]
    ar = jnp.arange(n, dtype=senders.dtype)
    # add_self_edges_fn
    snd = jnp.concatenate([senders, ar], axis=0)
    rcv = jnp.concatenate([receivers, ar], axis=0)
    edg = jnp.concatenate([edges, jnp.zeros((n, edges.shape[-1]), edges.dtype)], axis=0)
    # attention_query_fn: Dense(proj_features)
    h = nodes @ Wq + bq
    sent = h[snd]
    recv = h[rcv]
    # attention_logit_fn: MLP(Dense->relu->LN, Dense->relu->LN, Dense(1)->relu->LN), then [..., None]
    x = jnp.concatenate([sent, recv, edg], axis=-1)
    x = _layer_norm(jax.nn.relu(x @ W1 + b1), g1, be1)
    x = _layer_norm(jax.nn.relu(x @ W2 + b2), g2, be2)
    x = _layer_norm(jax.nn.relu(x @ W3 + b3), g3, be3)
    logits = x[..., None]  # [E, 1, 1] (single attention head)
    # jraph.GAT body
    w = _segment_softmax(logits, rcv, n)          # [E, 1, 1]
    messages = sent[:, None, :] * w               # [E, 1, PROJ]
    out = jax.ops.segment_sum(messages, rcv, num_segments=n)  # [N, 1, PROJ]
    out = jnp.reshape(jax.nn.leaky_relu(out), (n, -1))         # default node_update_fn
    return out

if __name__ == "__main__":
    import jax
    _d = setup_inputs()
    print(jax.jit(kernel)(*tuple(_d.values())))

</pallas_src>

<mosaic_0001>
#map = affine_map<(d0, d1) -> (0, 0)>
#map1 = affine_map<(d0, d1) -> (0, 0, 0)>
module attributes {stable_mosaic.version = 14 : i64} {
  func.func @body(%arg0: i32, %arg1: i32, %arg2: memref<10000x64xf32, #tpu.memory_space<hbm>>, %arg3: memref<32x125x80xi32, #tpu.memory_space<hbm>>, %arg4: memref<32x125x80xi32, #tpu.memory_space<hbm>>, %arg5: memref<625x64xf32, #tpu.memory_space<hbm>>, %arg6: memref<625x16xf32, #tpu.memory_space<hbm>>, %arg7: memref<80x16xf32, #tpu.memory_space<hbm>>, %arg8: memref<2x10000x64xf32, #tpu.memory_space<hbm>>, %arg9: memref<2x10000x16xf32, #tpu.memory_space<hbm>>, %arg10: memref<125x80xi32, #tpu.memory_space<vmem>>, %arg11: memref<125x80xi32, #tpu.memory_space<vmem>>, %arg12: memref<80x64xf32, #tpu.memory_space<vmem>>, %arg13: memref<80x16xf32, #tpu.memory_space<vmem>>, %arg14: memref<10000x64xf32, #tpu.memory_space<vmem_shared>>, %arg15: memref<10000x16xf32, #tpu.memory_space<vmem_shared>>, %arg16: memref<!tpu.dma_semaphore, #tpu.memory_space<semaphore_mem>>) attributes {dimension_semantics = [#tpu.dimension_semantics<core_parallel>, #tpu.dimension_semantics<subcore_parallel>], iteration_bounds = array<i64: 2, 16>, scalar_prefetch = 0 : i64, scratch_operands = 7 : i64, tpu.core_type = #tpu.core_type<sc_vector_subcore>, window_params = [{transform_indices = #map}, {transform_indices = #map1}, {transform_indices = #map1}, {transform_indices = #map}, {transform_indices = #map}, {transform_indices = #map}, {transform_indices = #map1}, {transform_indices = #map1}]} {
    %mul3A = arith.constant 2 : i32
    %mul3A_0 = arith.muli %arg1, %mul3A : i32
    %add3A = arith.addi %mul3A_0, %arg0 : i32
    %mul3A_1 = arith.constant 625 : i32
    %mul3A_2 = arith.muli %arg1, %mul3A_1 : i32
    "tpu.region"() ({
      %run_scoped3A = tpu.sem_alloc : memref<!tpu.dma_semaphore, #tpu.memory_space<semaphore_mem>>
      %dma_start3A = arith.constant 0 : i32
      %dma_start3A_18 = tpu.memref_slice %arg14[%mul3A_2, %dma_start3A] : memref<10000x64xf32, #tpu.memory_space<vmem_shared>> -> memref<625x64xf32, #tpu.memory_space<vmem_shared>>
      tpu.enqueue_dma source(%arg5 : memref<625x64xf32, #tpu.memory_space<hbm>>) target(%dma_start3A_18 : memref<625x64xf32, #tpu.memory_space<vmem_shared>>) target_semaphore(%run_scoped3A : memref<!tpu.dma_semaphore, #tpu.memory_space<semaphore_mem>>)
      %dma_wait3A = arith.constant 0 : i32
      %dma_wait3A_19 = tpu.memref_slice %arg14[%mul3A_2, %dma_wait3A] : memref<10000x64xf32, #tpu.memory_space<vmem_shared>> -> memref<625x64xf32, #tpu.memory_space<vmem_shared>>
      tpu.wait_dma2 semaphore(%run_scoped3A : memref<!tpu.dma_semaphore, #tpu.memory_space<semaphore_mem>>) src(%arg5 : memref<625x64xf32, #tpu.memory_space<hbm>>) dst(%dma_wait3A_19 : memref<625x64xf32, #tpu.memory_space<vmem_shared>>)
      tpu.yield
    }) : () -> ()
    %mul3A_3 = arith.constant 625 : i32
    %mul3A_4 = arith.muli %arg1, %mul3A_3 : i32
    "tpu.region"() ({
      %run_scoped3A = tpu.sem_alloc : memref<!tpu.dma_semaphore, #tpu.memory_space<semaphore_mem>>
      %dma_start3A = arith.constant 0 : i32
      %dma_start3A_18 = tpu.memref_slice %arg15[%mul3A_4, %dma_start3A] : memref<10000x16xf32, #tpu.memory_space<vmem_shared>> -> memref<625x16xf32, #tpu.memory_space<vmem_shared>>
      tpu.enqueue_dma source(%arg6 : memref<625x16xf32, #tpu.memory_space<hbm>>) target(%dma_start3A_18 : memref<625x16xf32, #tpu.memory_space<vmem_shared>>) target_semaphore(%run_scoped3A : memref<!tpu.dma_semaphore, #tpu.memory_space<semaphore_mem>>)
      %dma_wait3A = arith.constant 0 : i32
      %dma_wait3A_19 = tpu.memref_slice %arg15[%mul3A_4, %dma_wait3A] : memref<10000x16xf32, #tpu.memory_space<vmem_shared>> -> memref<625x16xf32, #tpu.memory_space<vmem_shared>>
      tpu.wait_dma2 semaphore(%run_scoped3A : memref<!tpu.dma_semaphore, #tpu.memory_space<semaphore_mem>>) src(%arg6 : memref<625x16xf32, #tpu.memory_space<hbm>>) dst(%dma_wait3A_19 : memref<625x16xf32, #tpu.memory_space<vmem_shared>>)
      tpu.yield
    }) : () -> ()
    "tpu.region"() ({
      %run_scoped3A = tpu.sem_alloc : memref<!tpu.dma_semaphore, #tpu.memory_space<semaphore_mem>>
      %dma_start3A = arith.constant 0 : i32
      %dma_start3A_18 = arith.constant 0 : i32
      %dma_start3A_19 = tpu.memref_slice %arg3[%add3A, %dma_start3A, %dma_start3A_18] : memref<32x125x80xi32, #tpu.memory_space<hbm>> -> memref<1x125x80xi32, #tpu.memory_space<hbm>>
      %dma_start3A_20 = tpu.memref_squeeze %dma_start3A_19 : memref<1x125x80xi32, #tpu.memory_space<hbm>> -> memref<125x80xi32, #tpu.memory_space<hbm>>
      %dma_start3A_21 = arith.constant 0 : i32
      %dma_start3A_22 = arith.constant 0 : i32
      %dma_start3A_23 = tpu.memref_slice %arg3[%add3A, %dma_start3A_21, %dma_start3A_22] : memref<32x125x80xi32, #tpu.memory_space<hbm>> -> memref<1x125x80xi32, #tpu.memory_space<hbm>>
      %dma_start3A_24 = tpu.memref_squeeze %dma_start3A_23 : memref<1x125x80xi32, #tpu.memory_space<hbm>> -> memref<125x80xi32, #tpu.memory_space<hbm>>
      tpu.enqueue_dma source(%dma_start3A_24 : memref<125x80xi32, #tpu.memory_space<hbm>>) target(%arg10 : memref<125x80xi32, #tpu.memory_space<vmem>>) target_semaphore(%run_scoped3A : memref<!tpu.dma_semaphore, #tpu.memory_space<semaphore_mem>>)
      %dma_wait3A = arith.constant 0 : i32
      %dma_wait3A_25 = arith.constant 0 : i32
      %dma_wait3A_26 = tpu.memref_slice %arg3[%add3A, %dma_wait3A, %dma_wait3A_25] : memref<32x125x80xi32, #tpu.memory_space<hbm>> -> memref<1x125x80xi32, #tpu.memory_space<hbm>>
      %dma_wait3A_27 = tpu.memref_squeeze %dma_wait3A_26 : memref<1x125x80xi32, #tpu.memory_space<hbm>> -> memref<125x80xi32, #tpu.memory_space<hbm>>
      %dma_wait3A_28 = arith.constant 0 : i32
      %dma_wait3A_29 = arith.constant 0 : i32
      %dma_wait3A_30 = tpu.memref_slice %arg3[%add3A, %dma_wait3A_28, %dma_wait3A_29] : memref<32x125x80xi32, #tpu.memory_space<hbm>> -> memref<1x125x80xi32, #tpu.memory_space<hbm>>
      %dma_wait3A_31 = tpu.memref_squeeze %dma_wait3A_30 : memref<1x125x80xi32, #tpu.memory_space<hbm>> -> memref<125x80xi32, #tpu.memory_space<hbm>>
      tpu.wait_dma2 semaphore(%run_scoped3A : memref<!tpu.dma_semaphore, #tpu.memory_space<semaphore_mem>>) src(%dma_wait3A_31 : memref<125x80xi32, #tpu.memory_space<hbm>>) dst(%arg10 : memref<125x80xi32, #tpu.memory_space<vmem>>)
      tpu.yield
    }) : () -> ()
    "tpu.region"() ({
      %run_scoped3A = tpu.sem_alloc : memref<!tpu.dma_semaphore, #tpu.memory_space<semaphore_mem>>
      %dma_start3A = arith.constant 0 : i32
      %dma_start3A_18 = arith.constant 0 : i32
      %dma_start3A_19 = tpu.memref_slice %arg4[%add3A, %dma_start3A, %dma_start3A_18] : memref<32x125x80xi32, #tpu.memory_space<hbm>> -> memref<1x125x80xi32, #tpu.memory_space<hbm>>
      %dma_start3A_20 = tpu.memref_squeeze %dma_start3A_19 : memref<1x125x80xi32, #tpu.memory_space<hbm>> -> memref<125x80xi32, #tpu.memory_space<hbm>>
      %dma_start3A_21 = arith.constant 0 : i32
      %dma_start3A_22 = arith.constant 0 : i32
      %dma_start3A_23 = tpu.memref_slice %arg4[%add3A, %dma_start3A_21, %dma_start3A_22] : memref<32x125x80xi32, #tpu.memory_space<hbm>> -> memref<1x125x80xi32, #tpu.memory_space<hbm>>
      %dma_start3A_24 = tpu.memref_squeeze %dma_start3A_23 : memref<1x125x80xi32, #tpu.memory_space<hbm>> -> memref<125x80xi32, #tpu.memory_space<hbm>>
      tpu.enqueue_dma source(%dma_start3A_24 : memref<125x80xi32, #tpu.memory_space<hbm>>) target(%arg11 : memref<125x80xi32, #tpu.memory_space<vmem>>) target_semaphore(%run_scoped3A : memref<!tpu.dma_semaphore, #tpu.memory_space<semaphore_mem>>)
      %dma_wait3A = arith.constant 0 : i32
      %dma_wait3A_25 = arith.constant 0 : i32
      %dma_wait3A_26 = tpu.memref_slice %arg4[%add3A, %dma_wait3A, %dma_wait3A_25] : memref<32x125x80xi32, #tpu.memory_space<hbm>> -> memref<1x125x80xi32, #tpu.memory_space<hbm>>
      %dma_wait3A_27 = tpu.memref_squeeze %dma_wait3A_26 : memref<1x125x80xi32, #tpu.memory_space<hbm>> -> memref<125x80xi32, #tpu.memory_space<hbm>>
      %dma_wait3A_28 = arith.constant 0 : i32
      %dma_wait3A_29 = arith.constant 0 : i32
      %dma_wait3A_30 = tpu.memref_slice %arg4[%add3A, %dma_wait3A_28, %dma_wait3A_29] : memref<32x125x80xi32, #tpu.memory_space<hbm>> -> memref<1x125x80xi32, #tpu.memory_space<hbm>>
      %dma_wait3A_31 = tpu.memref_squeeze %dma_wait3A_30 : memref<1x125x80xi32, #tpu.memory_space<hbm>> -> memref<125x80xi32, #tpu.memory_space<hbm>>
      tpu.wait_dma2 semaphore(%run_scoped3A : memref<!tpu.dma_semaphore, #tpu.memory_space<semaphore_mem>>) src(%dma_wait3A_31 : memref<125x80xi32, #tpu.memory_space<hbm>>) dst(%arg11 : memref<125x80xi32, #tpu.memory_space<vmem>>)
      tpu.yield
    }) : () -> ()
    "tpu.region"() ({
      %run_scoped3A = tpu.sem_alloc : memref<!tpu.dma_semaphore, #tpu.memory_space<semaphore_mem>>
      tpu.enqueue_dma source(%arg7 : memref<80x16xf32, #tpu.memory_space<hbm>>) target(%arg13 : memref<80x16xf32, #tpu.memory_space<vmem>>) target_semaphore(%run_scoped3A : memref<!tpu.dma_semaphore, #tpu.memory_space<semaphore_mem>>)
      tpu.wait_dma2 semaphore(%run_scoped3A : memref<!tpu.dma_semaphore, #tpu.memory_space<semaphore_mem>>) src(%arg7 : memref<80x16xf32, #tpu.memory_space<hbm>>) dst(%arg13 : memref<80x16xf32, #tpu.memory_space<vmem>>)
      tpu.yield
    }) : () -> ()
    %barrier3A = arith.constant 0 : index
    tpu.barrier barrier_id(%barrier3A)
    %scan3A = arith.constant 0 : i32
    %scan3A_5 = arith.constant 125 : i32
    %scan3A_6 = arith.addi %scan3A, %scan3A_5 : i32
    %scan3A_7 = arith.constant 1 : i32
    scf.for %scan3A_18 = %scan3A to %scan3A_6 step %scan3A_7  : i32 {
      %mul3A_19 = arith.constant 1 : i32
      %mul3A_20 = arith.muli %scan3A_18, %mul3A_19 : i32
      %add3A_21 = arith.constant 0 : i32
      %add3A_22 = arith.addi %add3A_21, %mul3A_20 : i32
      %dma_start3A = arith.constant 0 : i32
      %dma_start3A_23 = tpu.memref_slice %arg10[%add3A_22, %dma_start3A] : memref<125x80xi32, #tpu.memory_space<vmem>> -> memref<1x80xi32, #tpu.memory_space<vmem>>
      %dma_start3A_24 = tpu.memref_squeeze %dma_start3A_23 : memref<1x80xi32, #tpu.memory_space<vmem>> -> memref<80xi32, #tpu.memory_space<vmem>>
      %dma_start3A_25 = arith.constant 0 : i32
      %dma_start3A_26 = arith.constant 0 : i32
      %dma_start3A_27 = tpu.memref_slice %arg2[%dma_start3A_25, %dma_start3A_26] : memref<10000x64xf32, #tpu.memory_space<hbm>> -> memref<10000x64xf32, #tpu.memory_space<hbm>>
      tpu.enqueue_indirect_dma source(%dma_start3A_27 : memref<10000x64xf32, #tpu.memory_space<hbm>>) target(%arg12 : memref<80x64xf32, #tpu.memory_space<vmem>>) offsets(%dma_start3A_24 : memref<80xi32, #tpu.memory_space<vmem>>) semaphore(%arg16 : memref<!tpu.dma_semaphore, #tpu.memory_space<semaphore_mem>>)
      %dma_wait3A = arith.constant 0 : i32
      %dma_wait3A_28 = tpu.memref_slice %arg10[%add3A_22, %dma_wait3A] : memref<125x80xi32, #tpu.memory_space<vmem>> -> memref<1x80xi32, #tpu.memory_space<vmem>>
      %dma_wait3A_29 = tpu.memref_squeeze %dma_wait3A_28 : memref<1x80xi32, #tpu.memory_space<vmem>> -> memref<80xi32, #tpu.memory_space<vmem>>
      %dma_wait3A_30 = arith.constant 0 : i32
      %dma_wait3A_31 = arith.constant 0 : i32
      %dma_wait3A_32 = tpu.memref_slice %arg2[%dma_wait3A_30, %dma_wait3A_31] : memref<10000x64xf32, #tpu.memory_space<hbm>> -> memref<10000x64xf32, #tpu.memory_space<hbm>>
      tpu.wait_indirect_dma semaphore(%arg16 : memref<!tpu.dma_semaphore, #tpu.memory_space<semaphore_mem>>) src(%dma_wait3A_32 : memref<10000x64xf32, #tpu.memory_space<hbm>>) dst(%arg12 : memref<80x64xf32, #tpu.memory_space<vmem>>)
      "tpu.region"() ({
        %run_scoped3A = tpu.sem_alloc : memref<!tpu.dma_semaphore, #tpu.memory_space<semaphore_mem>>
        %dma_start3A_33 = arith.constant 0 : i32
        %dma_start3A_34 = tpu.memref_slice %arg11[%add3A_22, %dma_start3A_33] : memref<125x80xi32, #tpu.memory_space<vmem>> -> memref<1x80xi32, #tpu.memory_space<vmem>>
        %dma_start3A_35 = tpu.memref_squeeze %dma_start3A_34 : memref<1x80xi32, #tpu.memory_space<vmem>> -> memref<80xi32, #tpu.memory_space<vmem>>
        %dma_start3A_36 = arith.constant 0 : i32
        %dma_start3A_37 = arith.constant 0 : i32
        %dma_start3A_38 = tpu.memref_slice %arg14[%dma_start3A_36, %dma_start3A_37] : memref<10000x64xf32, #tpu.memory_space<vmem_shared>> -> memref<10000x64xf32, #tpu.memory_space<vmem_shared>>
        tpu.enqueue_indirect_dma source(%arg12 : memref<80x64xf32, #tpu.memory_space<vmem>>) target(%dma_start3A_38 : memref<10000x64xf32, #tpu.memory_space<vmem_shared>>) offsets(%dma_start3A_35 : memref<80xi32, #tpu.memory_space<vmem>>) semaphore(%run_scoped3A : memref<!tpu.dma_semaphore, #tpu.memory_space<semaphore_mem>>) {add = true}
        %dma_wait3A_39 = arith.constant 0 : i32
        %dma_wait3A_40 = tpu.memref_slice %arg11[%add3A_22, %dma_wait3A_39] : memref<125x80xi32, #tpu.memory_space<vmem>> -> memref<1x80xi32, #tpu.memory_space<vmem>>
        %dma_wait3A_41 = tpu.memref_squeeze %dma_wait3A_40 : memref<1x80xi32, #tpu.memory_space<vmem>> -> memref<80xi32, #tpu.memory_space<vmem>>
        %dma_wait3A_42 = arith.constant 0 : i32
        %dma_wait3A_43 = arith.constant 0 : i32
        %dma_wait3A_44 = tpu.memref_slice %arg14[%dma_wait3A_42, %dma_wait3A_43] : memref<10000x64xf32, #tpu.memory_space<vmem_shared>> -> memref<10000x64xf32, #tpu.memory_space<vmem_shared>>
        tpu.wait_indirect_dma semaphore(%run_scoped3A : memref<!tpu.dma_semaphore, #tpu.memory_space<semaphore_mem>>) src(%arg12 : memref<80x64xf32, #tpu.memory_space<vmem>>) dst(%dma_wait3A_44 : memref<10000x64xf32, #tpu.memory_space<vmem_shared>>)
        tpu.yield
      }) : () -> ()
      "tpu.region"() ({
        %run_scoped3A = tpu.sem_alloc : memref<!tpu.dma_semaphore, #tpu.memory_space<semaphore_mem>>
        %dma_start3A_33 = arith.constant 0 : i32
        %dma_start3A_34 = tpu.memref_slice %arg11[%add3A_22, %dma_start3A_33] : memref<125x80xi32, #tpu.memory_space<vmem>> -> memref<1x80xi32, #tpu.memory_space<vmem>>
        %dma_start3A_35 = tpu.memref_squeeze %dma_start3A_34 : memref<1x80xi32, #tpu.memory_space<vmem>> -> memref<80xi32, #tpu.memory_space<vmem>>
        %dma_start3A_36 = arith.constant 0 : i32
        %dma_start3A_37 = arith.constant 0 : i32
        %dma_start3A_38 = tpu.memref_slice %arg15[%dma_start3A_36, %dma_start3A_37] : memref<10000x16xf32, #tpu.memory_space<vmem_shared>> -> memref<10000x16xf32, #tpu.memory_space<vmem_shared>>
        tpu.enqueue_indirect_dma source(%arg13 : memref<80x16xf32, #tpu.memory_space<vmem>>) target(%dma_start3A_38 : memref<10000x16xf32, #tpu.memory_space<vmem_shared>>) offsets(%dma_start3A_35 : memref<80xi32, #tpu.memory_space<vmem>>) semaphore(%run_scoped3A : memref<!tpu.dma_semaphore, #tpu.memory_space<semaphore_mem>>) {add = true}
        %dma_wait3A_39 = arith.constant 0 : i32
        %dma_wait3A_40 = tpu.memref_slice %arg11[%add3A_22, %dma_wait3A_39] : memref<125x80xi32, #tpu.memory_space<vmem>> -> memref<1x80xi32, #tpu.memory_space<vmem>>
        %dma_wait3A_41 = tpu.memref_squeeze %dma_wait3A_40 : memref<1x80xi32, #tpu.memory_space<vmem>> -> memref<80xi32, #tpu.memory_space<vmem>>
        %dma_wait3A_42 = arith.constant 0 : i32
        %dma_wait3A_43 = arith.constant 0 : i32
        %dma_wait3A_44 = tpu.memref_slice %arg15[%dma_wait3A_42, %dma_wait3A_43] : memref<10000x16xf32, #tpu.memory_space<vmem_shared>> -> memref<10000x16xf32, #tpu.memory_space<vmem_shared>>
        tpu.wait_indirect_dma semaphore(%run_scoped3A : memref<!tpu.dma_semaphore, #tpu.memory_space<semaphore_mem>>) src(%arg13 : memref<80x16xf32, #tpu.memory_space<vmem>>) dst(%dma_wait3A_44 : memref<10000x16xf32, #tpu.memory_space<vmem_shared>>)
        tpu.yield
      }) : () -> ()
    }
    %scan3A_8 = arith.constant 125 : i32
    %barrier3A_9 = arith.constant 0 : index
    tpu.barrier barrier_id(%barrier3A_9)
    %mul3A_10 = arith.constant 625 : i32
    %mul3A_11 = arith.muli %arg1, %mul3A_10 : i32
    %mul3A_12 = arith.constant 625 : i32
    %mul3A_13 = arith.muli %arg1, %mul3A_12 : i32
    "tpu.region"() ({
      %run_scoped3A = tpu.sem_alloc : memref<!tpu.dma_semaphore, #tpu.memory_space<semaphore_mem>>
      %dma_start3A = arith.constant 0 : i32
      %dma_start3A_18 = tpu.memref_slice %arg8[%arg0, %mul3A_13, %dma_start3A] : memref<2x10000x64xf32, #tpu.memory_space<hbm>> -> memref<1x625x64xf32, #tpu.memory_space<hbm>>
      %dma_start3A_19 = tpu.memref_squeeze %dma_start3A_18 : memref<1x625x64xf32, #tpu.memory_space<hbm>> -> memref<625x64xf32, #tpu.memory_space<hbm>>
      %dma_start3A_20 = arith.constant 0 : i32
      %dma_start3A_21 = tpu.memref_slice %arg14[%mul3A_11, %dma_start3A_20] : memref<10000x64xf32, #tpu.memory_space<vmem_shared>> -> memref<625x64xf32, #tpu.memory_space<vmem_shared>>
      tpu.enqueue_dma source(%dma_start3A_21 : memref<625x64xf32, #tpu.memory_space<vmem_shared>>) target(%dma_start3A_19 : memref<625x64xf32, #tpu.memory_space<hbm>>) target_semaphore(%run_scoped3A : memref<!tpu.dma_semaphore, #tpu.memory_space<semaphore_mem>>)
      %dma_wait3A = arith.constant 0 : i32
      %dma_wait3A_22 = tpu.memref_slice %arg8[%arg0, %mul3A_13, %dma_wait3A] : memref<2x10000x64xf32, #tpu.memory_space<hbm>> -> memref<1x625x64xf32, #tpu.memory_space<hbm>>
      %dma_wait3A_23 = tpu.memref_squeeze %dma_wait3A_22 : memref<1x625x64xf32, #tpu.memory_space<hbm>> -> memref<625x64xf32, #tpu.memory_space<hbm>>
      %dma_wait3A_24 = arith.constant 0 : i32
      %dma_wait3A_25 = tpu.memref_slice %arg14[%mul3A_11, %dma_wait3A_24] : memref<10000x64xf32, #tpu.memory_space<vmem_shared>> -> memref<625x64xf32, #tpu.memory_space<vmem_shared>>
      tpu.wait_dma2 semaphore(%run_scoped3A : memref<!tpu.dma_semaphore, #tpu.memory_space<semaphore_mem>>) src(%dma_wait3A_25 : memref<625x64xf32, #tpu.memory_space<vmem_shared>>) dst(%dma_wait3A_23 : memref<625x64xf32, #tpu.memory_space<hbm>>)
      tpu.yield
    }) : () -> ()
    %mul3A_14 = arith.constant 625 : i32
    %mul3A_15 = arith.muli %arg1, %mul3A_14 : i32
    %mul3A_16 = arith.constant 625 : i32
    %mul3A_17 = arith.muli %arg1, %mul3A_16 : i32
    "tpu.region"() ({
      %run_scoped3A = tpu.sem_alloc : memref<!tpu.dma_semaphore, #tpu.memory_space<semaphore_mem>>
      %dma_start3A = arith.constant 0 : i32
      %dma_start3A_18 = tpu.memref_slice %arg9[%arg0, %mul3A_17, %dma_start3A] : memref<2x10000x16xf32, #tpu.memory_space<hbm>> -> memref<1x625x16xf32, #tpu.memory_space<hbm>>
      %dma_start3A_19 = tpu.memref_squeeze %dma_start3A_18 : memref<1x625x16xf32, #tpu.memory_space<hbm>> -> memref<625x16xf32, #tpu.memory_space<hbm>>
      %dma_start3A_20 = arith.constant 0 : i32
      %dma_start3A_21 = tpu.memref_slice %arg15[%mul3A_15, %dma_start3A_20] : memref<10000x16xf32, #tpu.memory_space<vmem_shared>> -> memref<625x16xf32, #tpu.memory_space<vmem_shared>>
      tpu.enqueue_dma source(%dma_start3A_21 : memref<625x16xf32, #tpu.memory_space<vmem_shared>>) target(%dma_start3A_19 : memref<625x16xf32, #tpu.memory_space<hbm>>) target_semaphore(%run_scoped3A : memref<!tpu.dma_semaphore, #tpu.memory_space<semaphore_mem>>)
      %dma_wait3A = arith.constant 0 : i32
      %dma_wait3A_22 = tpu.memref_slice %arg9[%arg0, %mul3A_17, %dma_wait3A] : memref<2x10000x16xf32, #tpu.memory_space<hbm>> -> memref<1x625x16xf32, #tpu.memory_space<hbm>>
      %dma_wait3A_23 = tpu.memref_squeeze %dma_wait3A_22 : memref<1x625x16xf32, #tpu.memory_space<hbm>> -> memref<625x16xf32, #tpu.memory_space<hbm>>
      %dma_wait3A_24 = arith.constant 0 : i32
      %dma_wait3A_25 = tpu.memref_slice %arg15[%mul3A_15, %dma_wait3A_24] : memref<10000x16xf32, #tpu.memory_space<vmem_shared>> -> memref<625x16xf32, #tpu.memory_space<vmem_shared>>
      tpu.wait_dma2 semaphore(%run_scoped3A : memref<!tpu.dma_semaphore, #tpu.memory_space<semaphore_mem>>) src(%dma_wait3A_25 : memref<625x16xf32, #tpu.memory_space<vmem_shared>>) dst(%dma_wait3A_23 : memref<625x16xf32, #tpu.memory_space<hbm>>)
      tpu.yield
    }) : () -> ()
    return
  }
}

module attributes {stable_mosaic.version = 14 : i64} {
  func.func @_mm_body(%arg0: memref<10000x128xf32, #tpu.memory_space<vmem>>, %arg1: memref<128x64xf32, #tpu.memory_space<vmem>>, %arg2: memref<1x64xf32, #tpu.memory_space<vmem>>, %arg3: memref<10000x64xf32, #tpu.memory_space<vmem>>) attributes {dimension_semantics = [], scalar_prefetch = 0 : i64, scratch_operands = 0 : i64, tpu.core_type = #tpu.core_type<tc>} {
    %get3A = arith.constant 0 : index
    %get3A_0 = arith.constant 0 : index
    %get3A_1 = vector.load %arg0[%get3A, %get3A_0] : memref<10000x128xf32, #tpu.memory_space<vmem>>, vector<10000x128xf32>
    %get3A_2 = arith.constant 0 : index
    %get3A_3 = arith.constant 0 : index
    %get3A_4 = vector.load %arg1[%get3A_2, %get3A_3] : memref<128x64xf32, #tpu.memory_space<vmem>>, vector<128x64xf32>
    %dot_general3A = arith.constant dense<0.000000e+00> : vector<10000x64xf32>
    %dot_general3A_5 = tpu.matmul %get3A_1, %get3A_4, %dot_general3A {dimension_numbers = #tpu.dot_dimension_numbers<[1], [0], [0], [1], [0, 0, 1, 1], [], []>, transpose_lhs_hint = false} : vector<10000x128xf32>, vector<128x64xf32>, vector<10000x64xf32> -> vector<10000x64xf32>
    %get3A_6 = arith.constant 0 : index
    %get3A_7 = arith.constant 0 : index
    %get3A_8 = vector.load %arg2[%get3A_6, %get3A_7] : memref<1x64xf32, #tpu.memory_space<vmem>>, vector<1x64xf32>
    %add3A = vector.broadcast %get3A_8 : vector<1x64xf32> to vector<10000x64xf32>
    %add3A_9 = arith.addf %dot_general3A_5, %add3A : vector<10000x64xf32>
    %swap3A = arith.constant 0 : index
    %swap3A_10 = arith.constant 0 : index
    %swap3A_11 = vector.load %arg3[%swap3A, %swap3A_10] : memref<10000x64xf32, #tpu.memory_space<vmem>>, vector<10000x64xf32>
    tpu.vector_store %arg3[%swap3A, %swap3A_10], %add3A_9 {strides = array<i32>} : memref<10000x64xf32, #tpu.memory_space<vmem>>, vector<10000x64xf32>,
    return
  }
}

module attributes {stable_mosaic.version = 14 : i64} {
  func.func @_fin_body(%arg0: memref<2x10000x64xf32, #tpu.memory_space<vmem>>, %arg1: memref<2x10000x16xf32, #tpu.memory_space<vmem>>, %arg2: memref<10000x64xf32, #tpu.memory_space<vmem>>, %arg3: memref<10000x64xf32, #tpu.memory_space<vmem>>) attributes {dimension_semantics = [], scalar_prefetch = 0 : i64, scratch_operands = 0 : i64, tpu.core_type = #tpu.core_type<tc>} {
    %get3A = arith.constant 0 : index
    %get3A_0 = arith.constant 0 : index
    %get3A_1 = arith.constant 0 : index
    %get3A_2 = vector.load %arg0[%get3A, %get3A_0, %get3A_1] : memref<2x10000x64xf32, #tpu.memory_space<vmem>>, vector<1x10000x64xf32>
    %get3A_3 = vector.shape_cast %get3A_2 : vector<1x10000x64xf32> to vector<10000x64xf32>
    %get3A_4 = arith.constant 1 : index
    %get3A_5 = arith.constant 0 : index
    %get3A_6 = arith.constant 0 : index
    %get3A_7 = vector.load %arg0[%get3A_4, %get3A_5, %get3A_6] : memref<2x10000x64xf32, #tpu.memory_space<vmem>>, vector<1x10000x64xf32>
    %get3A_8 = vector.shape_cast %get3A_7 : vector<1x10000x64xf32> to vector<10000x64xf32>
    %add3A = arith.addf %get3A_3, %get3A_8 : vector<10000x64xf32>
    %get3A_9 = arith.constant 0 : index
    %get3A_10 = arith.constant 0 : index
    %get3A_11 = vector.load %arg2[%get3A_9, %get3A_10] : memref<10000x64xf32, #tpu.memory_space<vmem>>, vector<10000x64xf32>
    %add3A_12 = arith.addf %add3A, %get3A_11 : vector<10000x64xf32>
    %get3A_13 = arith.constant 0 : index
    %get3A_14 = arith.constant 0 : index
    %get3A_15 = arith.constant 0 : index
    %get3A_16 = vector.load %arg1[%get3A_13, %get3A_14, %get3A_15] : memref<2x10000x16xf32, #tpu.memory_space<vmem>>, vector<1x10000x1xf32>
    %get3A_17 = vector.shape_cast %get3A_16 : vector<1x10000x1xf32> to vector<10000x1xf32>
    %get3A_18 = arith.constant 1 : index
    %get3A_19 = arith.constant 0 : index
    %get3A_20 = arith.constant 0 : index
    %get3A_21 = vector.load %arg1[%get3A_18, %get3A_19, %get3A_20] : memref<2x10000x16xf32, #tpu.memory_space<vmem>>, vector<1x10000x1xf32>
    %get3A_22 = vector.shape_cast %get3A_21 : vector<1x10000x1xf32> to vector<10000x1xf32>
    %add3A_23 = arith.addf %get3A_17, %get3A_22 : vector<10000x1xf32>
    %add3A_24 = arith.constant 1.000000e+00 : f32
    %add3A_25 = vector.broadcast %add3A_24 : f32 to vector<10000x1xf32>
    %add3A_26 = arith.addf %add3A_23, %add3A_25 : vector<10000x1xf32>
    %div3A = vector.broadcast %add3A_26 : vector<10000x1xf32> to vector<10000x64xf32>
    %div3A_27 = arith.divf %add3A_12, %div3A : vector<10000x64xf32>
    %ge3A = arith.constant 0.000000e+00 : f32
    %ge3A_28 = vector.broadcast %ge3A : f32 to vector<10000x64xf32>
    %ge3A_29 = arith.cmpf oge, %div3A_27, %ge3A_28 : vector<10000x64xf32>
    %mul3A = arith.constant 0.00999999977 : f32
    %mul3A_30 = vector.broadcast %mul3A : f32 to vector<10000x64xf32>
    %mul3A_31 = arith.mulf %mul3A_30, %div3A_27 : vector<10000x64xf32>
    %select_n3A = arith.select %ge3A_29, %div3A_27, %mul3A_31 : vector<10000x64xi1>, vector<10000x64xf32>
    %swap3A = arith.constant 0 : index
    %swap3A_32 = arith.constant 0 : index
    %swap3A_33 = vector.load %arg3[%swap3A, %swap3A_32] : memref<10000x64xf32, #tpu.memory_space<vmem>>, vector<10000x64xf32>
    tpu.vector_store %arg3[%swap3A, %swap3A_32], %select_n3A {strides = array<i32>} : memref<10000x64xf32, #tpu.memory_space<vmem>>, vector<10000x64xf32>,
    return
  }
}

</mosaic_0001>

<sc_bundles>
// kernel: kernel.5.cloned.1.call-start
scs
__scs_entry_jumppad:
0x0: {  	(pc) =	sbr.rel $0x88, $3  }
0x1: {  	(tag) =	ssettag $0x0;
	lr =	simm.s32 $0x1  }
0x2: {  	[smem:$0x3F9C] =	sst lr;
	_ =	strace $0xD0000000  }
0x3: {  	_ = 	snop  }
0x4: {  	_ = 	snop  }
0x5: {  	_ = 	snop  }
0x6: {  	_ = 	snop  }
0x7: {  	_ = 	snop  }
__scs_overlays_trampoline_lowered:
0x8: {  	[smem:$0x3FAB] =	sst s0  }
0x9: {  	[smem:$0x3FAC] =	sst s1  }
0xa: {  	[smem:$0x3FAD] =	sst s2  }
0xb: {  	[smem:$0x3FAE] =	sst s3  }
0xc: {  	[smem:$0x3FAF] =	sst s4  }
0xd: {  	[smem:$0x3FB0] =	sst s5  }
0xe: {  	[smem:$0x3FB1] =	sst s6  }
0xf: {  	[smem:$0x3FB2] =	sst s7  }
0x10: {  	[smem:$0x3FB3] =	sst s8  }
0x11: {  	[smem:$0x3FB4] =	sst s9;
	s0 =	simm.s32 @!p0 $0x0  }
0x12: {  	s1 =	sld [smem:$0x3F9A];
	s0 =	simm.s32 @p0 $0x1  }
0x13: {  	[smem:$0x3FB5] =	sst s0;
	s0 =	simm.s32 @!p1 $0x0  }
0x14: {  	s2 =	sld [smem:$0x3F99];
	s0 =	simm.s32 @p1 $0x1  }
0x15: {  	[smem:$0x3FB6] =	sst s0;
	s0 =	simm.s32 @!p2 $0x0  }
0x16: {  	s3 =	sld [smem:$0x3FDB];
	s0 =	simm.s32 @p2 $0x1  }
0x17: {  	s4 =	simm.s32 $0x1BF5;
	[smem:$0x3FB8] =	sst s0  }
0x18: {  	s0 =	sld [smem:$0x3F9B];
	_ =	swait.ge [sflag:s4], $0x0  }
0x19: {  	s7 =	sld [smem:$0x3F9C]  }
0x1a: {  	s8 =	sadd.s32 $0xFFFFE003, lr  }
0x1b: {  	s9 =	sadd.s32 $0xFFFFFEF7, lr;
	s5 =	simm.s32 $0xFFFFFFFF;
	p2 =	slt.u32 s8, $0xFFFFF086  }
0x1c: {  	p1 =	slt.u32 s9, $0xF7A;
	s5 =	simm.s32 @!p2 $0x0  }
0x1d: {  	s5 =	simm.s32 @p1 $0x1;
	p0 =	seq.s32 s7, s2  }
0x1e: {  	s7 =	smul.u32 @!p0 $0xF7A, s2;
	p2 =	seq.s32 @!p0 s5, $0x0  }
0x1f: {  	s9 =	smul.u32 $0xF7A, s1;
	s8 =	simm.s32 @!p0 $0x1BF5;
	p2 =	por !p2, p0  }
0x20: {  	[sflag:s8] =	ssyncset.s32 @!p0 $0xFFFFF086;
	s6 =	sadd.s32 @!p0 s3, s7;
	s7 =	simm.s32 @!p0 $0x108  }
0x21: {  	s3 =	sadd.s32 s3, s9;
	s6 =	sadd.s32 @!p0 $0x88, s6;
	s7 =	simm.s32 @p2 $0x1082  }
0x22: {  	[simem:s7], [sflag:s8] =	dma.local @!p0 [hbm:s6], $0xF7A  }
0x23: {  	s9 =	sor.u32 $0xD0000000, s2;
	s6 =	simm.s32 $0x108;
	_ =	swait.ge @!p0 [sflag:s8], $0x0  }
0x24: {  	s3 =	sadd.s32 $0x88, s3;
	s6 =	simm.s32 @!p1 $0x1082;
	[sflag:s4] =	ssyncset.s32 $0xFFFFF086  }
0x25: {  	[simem:s6], [sflag:s4] =	dma.local [hbm:s3], $0xF7A  }
0x26: {  	[smem:$0x3F9C] =	sst s1;
	(tag) =	ssettag s2;
	_ =	strace s9  }
0x27: {  	s1 =	sld [smem:$0x3FAC]  }
0x28: {  	s2 =	sld [smem:$0x3FAD]  }
0x29: {  	s4 =	sld [smem:$0x3FAF]  }
0x2a: {  	p0 =	seq.s32 s5, $0x0;
	s5 =	sld [smem:$0x3FB0]  }
0x2b: {  	s6 =	sld [smem:$0x3FB1]  }
0x2c: {  	s7 =	sld [smem:$0x3FB2]  }
0x2d: {  	s3 =	simm.s32 $0x108;
	s8 =	sld [smem:$0x3FB3]  }
0x2e: {  	s3 =	simm.s32 @!p0 $0x1082;
	s9 =	sld [smem:$0x3FB4]  }
0x2f: {  	lr =	sadd.s32 s0, s3;
	s0 =	sld [smem:$0x3FAB]  }
0x30: {  	s3 =	sld [smem:$0x3FAE]  }
0x31: {  	[smem:$0x3FB7] =	sst s10  }
0x32: {  	s10 =	sld [smem:$0x3FB5];
	_ =	sdelay $0x3  }
0x33: {  	p0 =	seq.s32 s10, $0x1;
	s10 =	sld [smem:$0x3FB7];
	_ =	sdelay $0x3  }
0x34: {  	[smem:$0x3FB7] =	sst s10  }
0x35: {  	s10 =	sld [smem:$0x3FB6];
	_ =	sdelay $0x3  }
0x36: {  	p1 =	seq.s32 s10, $0x1;
	s10 =	sld [smem:$0x3FB7];
	_ =	sdelay $0x3  }
0x37: {  	[smem:$0x3FB7] =	sst s10  }
0x38: {  	s10 =	sld [smem:$0x3FB8]  }
0x39: {  	_ = 	snop;
	(pc) =	sbr.ind lr, $3  }
0x3a: {  	_ = 	snop  }
0x3b: {  	_ = 	snop  }
0x3c: {  	p2 =	seq.s32 s10, $0x1;
	s10 =	sld [smem:$0x3FB7]  }
0x3d: {  	_ =	shalt  }
0x3e: {  	_ =	shalt  }
0x3f: {  	_ =	shalt  }
0x40: {  	_ =	shalt  }
0x41: {  	_ =	shalt  }
0x42: {  	_ =	shalt  }
0x43: {  	_ =	shalt  }
0x44: {  	_ =	shalt  }
0x45: {  	_ =	shalt  }
0x46: {  	_ =	shalt  }
0x47: {  	_ =	shalt  }
0x48: {  	_ =	shalt  }
0x49: {  	_ =	shalt  }
0x4a: {  	_ =	shalt  }
0x4b: {  	_ =	shalt  }
0x4c: {  	_ =	shalt  }
0x4d: {  	_ =	shalt  }
0x4e: {  	_ =	shalt  }
0x4f: {  	_ =	shalt  }
0x50: {  	_ =	shalt  }
0x51: {  	_ =	shalt  }
0x52: {  	_ =	shalt  }
0x53: {  	_ =	shalt  }
0x54: {  	_ =	shalt  }
0x55: {  	_ =	shalt  }
0x56: {  	_ =	shalt  }
0x57: {  	_ =	shalt  }
0x58: {  	_ =	shalt  }
0x59: {  	_ =	shalt  }
0x5a: {  	_ =	shalt  }
0x5b: {  	_ =	shalt  }
0x5c: {  	_ =	shalt  }
0x5d: {  	_ =	shalt  }
0x5e: {  	_ =	shalt  }
0x5f: {  	_ =	shalt  }
0x60: {  	_ =	shalt  }
0x61: {  	_ =	shalt  }
0x62: {  	_ =	shalt  }
0x63: {  	_ =	shalt  }
0x64: {  	_ =	shalt  }
0x65: {  	_ =	shalt  }
0x66: {  	_ =	shalt  }
0x67: {  	_ =	shalt  }
0x68: {  	_ =	shalt  }
0x69: {  	_ =	shalt  }
0x6a: {  	_ =	shalt  }
0x6b: {  	_ =	shalt  }
0x6c: {  	_ =	shalt  }
0x6d: {  	_ =	shalt  }
0x6e: {  	_ =	shalt  }
0x6f: {  	_ =	shalt  }
0x70: {  	_ =	shalt  }
0x71: {  	_ =	shalt  }
0x72: {  	_ =	shalt  }
0x73: {  	_ =	shalt  }
0x74: {  	_ =	shalt  }
0x75: {  	_ =	shalt  }
0x76: {  	_ =	shalt  }
0x77: {  	_ =	shalt  }
0x78: {  	_ =	shalt  }
0x79: {  	_ =	shalt  }
0x7a: {  	_ =	shalt  }
0x7b: {  	_ =	shalt  }
0x7c: {  	_ =	shalt  }
0x7d: {  	_ =	shalt  }
0x7e: {  	_ =	shalt  }
0x7f: {  	_ =	shalt  }
0x80: {  	_ =	shalt  }
0x81: {  	_ =	shalt  }
0x82: {  	_ =	shalt  }
0x83: {  	_ =	shalt  }
0x84: {  	_ =	shalt  }
0x85: {  	_ =	shalt  }
0x86: {  	_ =	shalt  }
0x87: {  	_ =	shalt  }
.Lfunc_end0:
.L_simem_size_0:
called_computation_lowered:
.L_overlay_start_0:
0x88: {  	s2 =	sld [smem:$0x3FD9]  }
0x89: {  	s3 =	sld [smem:$0x3FFE];
	_ =	sdelay $0x1  }
0x8a: {  	s1 =	srdreg.scid  }
0x8b: {  	s0 =	sand.u32 $0x1, s1  }
0x8c: {  	s17 =	sshll.u32 s0, $0xA;
	s2 =	sadd.s32 s3, s2  }
0x8d: {  	s2 =	sadd.s32 s2, s17  }
0x8e: {  	[smem:$0x3FC3] =	sst s2  }
0x8f: {  	_ = 	snop  }
0x90: {  	s2 =	sld [smem:$0x3FC8]  }
0x91: {  	s18 =	sld [smem:$0x3FC7]  }
0x92: {  	s4 =	sld [smem:$0x3FD0];
	(tm) =	ssettm $0x1  }
0x93: {  	s5 =	sld [smem:$0x3FFB];
	_ =	sdelay $0x3  }
0x94: {  	_ =	strace s5  }
0x95: {  	s5 =	sld [smem:$0x3FFC];
	_ =	sdelay $0x3  }
0x96: {  	_ =	strace s5  }
0x97: {  	s5 =	sld [smem:$0x3FFD];
	_ =	sdelay $0x3  }
0x98: {  	_ =	strace s5  }
0x99: {  	_ =	strace $0x8FFFFFFF  }
0x9a: {  	s19 =	sld [smem:$0x3FDB];
	_ =	sdelay $0x1  }
0x9b: {  	s6 =	simm.s32 $_scs_section_size  }
0x9c: {  	s7 =	simm.s32 $_size__tile_overlayer_lowered;
	s8 =	simm.s32 $_tile_overlayer_lowered  }
0x9d: {  	s22 =	simm.s32 $0x1BFF;
	s21 =	sshll.u32 s8, $0x1;
	s5 =	sadd.s32 s6, s19  }
0x9e: {  	s9 =	simm.s32 $0x0;
	s20 =	sshll.u32 s7, $0x1;
	s7 =	sadd.s32 s21, s5  }
0x9f: {  	[timem:s9], [sflag:s22] =	dma.local [hbm:s7], s20  }
0xa0: {  	_ =	swait.ge [sflag:s22], s20  }
0xa1: {  	s6 =	ssub.s32 $0x0, s20;
	[sflag:s22] =	ssyncset.done $0x0  }
0xa2: {  	[sflag:s22] =	ssyncadd.s32 s6;
	_ =	sdelay $0x1  }
0xa3: {  	s23 =	simm.s32 $0x1B8B  }
0xa4: {  	_ =	swait.ge [sflag:s23], $0x1  }
0xa5: {  	[sflag:s23] =	ssyncset.done $0x0  }
0xa6: {  	s25 =	simm.s32 $0x1B8E;
	s24 =	sld [smem:$0x3FFE];
	[sflag:s23] =	ssyncadd.s32 $0xFFFFFFFF  }
0xa7: {  	s26 =	simm.s32 $execute0_lowered;
	[smem:$0x3FD2] =	sst s25  }
0xa8: {  	s7 =	sshll.u32 s26, $0x1;
	_ =	strace $0x80000046;
	[dreg:$0x1] =	wrdreg $0xFFFFFFFF  }
0xa9: {  	s28 =	simm.s32 $_size_execute0_lowered;
	s5 =	sadd.s32 s5, s7;
	[dreg:$0x0] =	wrdreg $0x0  }
0xaa: {  	s7 =	sshll.u32 s28, $0x1;
	[dreg:$0x2] =	wrdreg s5  }
0xab: {  	[dreg:$0x3] =	wrdreg s7  }
0xac: {  	[dreg:$0x4] =	wrdreg $0xC0  }
0xad: {  	_ =	task [dreg:s9], $0x5FFFF  }
0xae: {  	[dreg:$0x1] =	wrdreg $0xFFFFFFFF  }
0xaf: {  	[dreg:$0x0] =	wrdreg $0x60  }
0xb0: {  	[dreg:$0x2] =	wrdreg s4  }
0xb1: {  	[dreg:$0x3] =	wrdreg s2  }
0xb2: {  	[dreg:$0x4] =	wrdreg s18  }
0xb3: {  	[dreg:$0x5] =	wrdreg s24  }
0xb4: {  	[dreg:$0x6] =	wrdreg $0x67200  }
0xb5: {  	[dreg:$0x7] =	wrdreg $0x103600  }
0xb6: {  	[dreg:$0x8] =	wrdreg $0x9  }
0xb7: {  	_ =	task.clear_ibuf [dreg:s9], $0x9FFFF;
	_ =	strace $0x90000046  }
0xb8: {  	s29 =	simm.s32 $0x9;
	_ =	strace $0x80000048  }
0xb9: {  	_ =	swait.ge [sflag:s29], $0x1  }
0xba: {  	[sflag:s29] =	ssyncadd.s32 $0xFFFFFFFF  }
0xbb: {  	_ =	strace $0x90000048  }
0xbc: {  	_ =	sfence  }
0xbd: {  	s30 =	sld [smem:$0x0];
	_ =	sdelay $0x2  }
0xbe: {  	s31 =	sshll.u32 s1, $0xD;
	s1 =	sshrl.u32 s1, $0x2  }
0xbf: {  	s3 =	sand.u32 $0x4000, s31;
	s1 =	sadd.s32 s1, s30  }
0xc0: {  	s0 =	sor.u32 s3, s0;
	s1 =	sshll.u32 s1, $0x11  }
0xc1: {  	s0 =	sor.u32 s1, s0  }
0xc2: {  	s0 =	sadd.s32 $0x8F2B, s0  }
0xc3: {  	[sflag:s0] =	ssyncadd.remote.s32 $0x1  }
0xc4: {  	_ =	sfence.sel $0xFFFF  }
0xc5: {  	[dreg:$0x0] =	wrdreg $0xFFFFFFFF;
	(pc) =	sbr.abs _section_cstart, $3  }
0xc6: {  	[dreg:$0x1] =	wrdreg $0xFFFFFFFF  }
0xc7: {  	_ =	task.clear_ibuf [dreg:s9], $0x2FFFF;
	_ =	strace $0x9FFFFFFF  }
0xc8: {  	(tm) =	ssettm $0x7FFFFFFF  }
0xc9: {  	_ =	shalt  }
tec
execute0_lowered:
.L_overlay_start_1:
0x0: {  	(tag) =	ssettag $0x1  }
0x1: {  	s0 =	rddreg [dreg:$0x0]  }
0x2: {  	s10 =	rddreg [dreg:$0x1]  }
0x3: {  	s11 =	rddreg [dreg:$0x2]  }
0x4: {  	s9 =	rddreg [dreg:$0x3]  }
0x5: {  	s3 =	rddreg [dreg:$0x4];
	s2 =	srdreg.scid  }
0x6: {  	s1 =	stileid.u32;
	s4 =	rddreg [dreg:$0x5]  }
0x7: {  	s5 =	simm.s32 $0x0;
	s20 =	simm.s32 $0x50;
	s21 =	simm.s32 $0x4E20  }
0x8: {  	s22 =	simm.s32 $0x1;
	s12 =	sand.u32 $0x1, s2;
	s2 =	rddreg [dreg:$0x6]  }
0x9: {  	s23 =	simm.s32 $0x0;
	s13 =	smul.u32 $0x9C40, s1;
	[smem:$0x7FF] =	sst s5  }
0xa: {  	s14 =	smul.u32 $0x2710, s1;
	s6 =	sadd.s32 $0x1600, s9;
	s7 =	sadd.s32 $0x1000, s9  }
0xb: {  	s17 =	sshll.u32 s1, $0x1;
	s18 =	sshll.u32 s1, $0x6;
	s8 =	smul.u32 $0x9C400, s12  }
0xc: {  	s15 =	smul.u32 $0x27100, s12;
	s29 =	ssub.s32 $0x2, s12;
	s12 =	sor.u32 s12, s17  }
0xd: {  	_ =	strace $0x80000047;
	s30 =	sshrl.u32 s29, $0x1;
	s12 =	smul.u32 $0x4E2, s12  }
0xe: {  	s19 =	sadd.s32 s13, s3;
	s31 =	sadd.s32 s14, s4;
	s16 =	sadd.s32 s13, s8  }
0xf: {  	s8 =	sadd.s32 $0xE00, s9;
	s15 =	sadd.s32 s14, s15;
	s17 =	ssub.s32 s29, s30  }
0x10: {  	s16 =	sshrl.u32 s16, $0x3;
	s15 =	sshrl.u32 s15, $0x3;
	s10 =	sadd.s32 s10, s12  }
0x11: {  	s11 =	sadd.s32 s11, s12;
	s14 =	smax.u32 s17, $0x1;
	s17 =	sshrl.u32 s31, $0x3  }
0x12: {  	s16 =	sadd.s32 s16, s9;
	s15 =	sadd.s32 s15, s9;
	s9 =	sor.u32 $0x1C02, s18  }
0x13: {  	s18 =	simm.s32 $0x2710;
	s12 =	sadd.s32 $0x2A00, s16;
	s13 =	sadd.s32 $0x29C00, s15  }
0x14: {  	s15 =	sshrl.u32 s19, $0x3;
	s16 =	simm.s32 $0x2;
	s19 =	simm.s32 $0x6220  }
.LBB2_1:
0x15: {  	[spmem:s15], [sflag:s9] =	dma.local [hbm:s6], $0x1388  }
0x16: {  	_ =	swait.ge [sflag:s16], $0x1388  }
0x17: {  	[sflag:s16] =	ssyncset.done $0x0  }
0x18: {  	[sflag:s16] =	ssyncadd.s32 $0xFFFFEC78  }
0x19: {  	[spmem:s17], [sflag:s9] =	dma.local [hbm:s7], $0x4E2  }
0x1a: {  	_ =	swait.ge [sflag:s16], $0x4E2  }
0x1b: {  	[sflag:s16] =	ssyncset.done $0x0  }
0x1c: {  	[sflag:s16] =	ssyncadd.s32 $0xFFFFFB1E  }
0x1d: {  	[tilespmem:s5], [sflag:$0x2] =	stream.linear.gather [hbm4b:s10+s5], $0x2710, $0x38;
	[tilespmem:$0x12A70] =	vst v63  }
0x1e: {  	_ =	swait.ge [sflag:s16], $0x2710  }
0x1f: {  	[sflag:s16] =	ssyncset.done $0x0  }
0x20: {  	[sflag:s16] =	ssyncadd.s32 $0xFFFFD8F0  }
0x21: {  	[tilespmem:s18], [sflag:$0x2] =	stream.linear.gather [hbm4b:s11+s5], $0x2710, $0x38;
	[tilespmem:$0x12A70] =	vst v63  }
0x22: {  	_ =	swait.ge [sflag:s16], $0x2710  }
0x23: {  	[sflag:s16] =	ssyncset.done $0x0  }
0x24: {  	[sflag:s16] =	ssyncadd.s32 $0xFFFFD8F0  }
0x25: {  	[tilespmem:s19], [sflag:$0x2] =	stream.linear.gather [hbm4b:s8+s5], $0x500, $0x38;
	[tilespmem:$0x12A70] =	vst v63  }
0x26: {  	_ =	swait.ge [sflag:s16], $0x500  }
0x27: {  	[sflag:s16] =	ssyncset.done $0x0  }
0x28: {  	[sflag:s16] =	ssyncadd.s32 $0xFFFFFB00  }
0x29: {  	s24 =	simm.s32 $0x0;
	[bflag:$0x0] =	sbarrier.arrive $0xFFFF  }
0x2a: {  	[tilespmem:s21], [sflag:$0x1] =	stream.indirect.gather [hbm4b:s0+s20], $0x40, s24, s20, $0xb8;
	[tilespmem:$0x12A70] =	vst v63  }
0x2b: {  	_ =	swait.ge [sflag:s22], $0x1400  }
0x2c: {  	[sflag:s22] =	ssyncset.done $0x0  }
0x2d: {  	s31 =	simm.s32 $0x2710;
	[sflag:s22] =	ssyncadd.s32 $0xFFFFEC00  }
0x2e: {  	[spmem:s3] =	stream.indirect.scatter.add.f32 [tilespmem:s21], [sflag:$0x2], $0x40, s31, s20, $0xb8;
	[tilespmem:$0x12A70] =	vst v63  }
0x2f: {  	_ =	swait.ge [sflag:s16], $0x1400  }
0x30: {  	[sflag:s16] =	ssyncset.done $0x0  }
0x31: {  	[sflag:s16] =	ssyncadd.s32 $0xFFFFEC00  }
0x32: {  	[spmem:s4] =	stream.indirect.scatter.add.f32 [tilespmem:s19], [sflag:$0x2], $0x10, s31, s20, $0xb8;
	[tilespmem:$0x12A70] =	vst v63  }
0x33: {  	_ =	swait.ge [sflag:s16], $0x500  }
0x34: {  	s25 =	simm.s32 $0x280;
	s24 =	simm.s32 $0x140;
	[sflag:s16] =	ssyncset.done $0x0  }
.LBB2_2:
0x35: {  	s26 =	sshra.s32 s24, $0x2  }
0x36: {  	[sflag:s16] =	ssyncadd.s32 $0xFFFFFB00;
	s24 =	smov.u32 s25;
	s28 =	sadd.s32 $0x140, s25  }
0x37: {  	[tilespmem:s21], [sflag:$0x1] =	stream.indirect.gather [hbm4b:s0+s20], $0x40, s26, s20, $0xb8;
	[tilespmem:$0x12A70] =	vst v63  }
0x38: {  	p0 =	sne.s32 s25, $0x9B00;
	_ =	swait.ge [sflag:s22], $0x1400  }
0x39: {  	[sflag:s22] =	ssyncset.done $0x0  }
0x3a: {  	s25 =	sadd.s32 $0x2710, s26;
	[sflag:s22] =	ssyncadd.s32 $0xFFFFEC00  }
0x3b: {  	[spmem:s3] =	stream.indirect.scatter.add.f32 [tilespmem:s21], [sflag:$0x2], $0x40, s25, s20, $0xb8;
	[tilespmem:$0x12A70] =	vst v63  }
0x3c: {  	_ =	swait.ge [sflag:s16], $0x1400  }
.Ltmp0:
0x3d: {  	[sflag:s16] =	ssyncset.done $0x0;
	(pc) =	sbr.rel @p0 .LBB2_2-.Ltmp0, $4  }
0x3e: {  	[sflag:s16] =	ssyncadd.s32 $0xFFFFEC00  }
0x3f: {  	[spmem:s4] =	stream.indirect.scatter.add.f32 [tilespmem:s19], [sflag:$0x2], $0x10, s25, s20, $0xb8;
	[tilespmem:$0x12A70] =	vst v63  }
0x40: {  	_ =	swait.ge [sflag:s16], $0x500  }
0x41: {  	s25 =	smov.u32 s28;
	[sflag:s16] =	ssyncset.done $0x0  }
0x42: {  	s24 =	sshra.s32 s24, $0x2;
	[sflag:s16] =	ssyncadd.s32 $0xFFFFFB00  }
0x43: {  	[tilespmem:s21], [sflag:$0x1] =	stream.indirect.gather [hbm4b:s0+s20], $0x40, s24, s20, $0xb8;
	[tilespmem:$0x12A70] =	vst v63  }
0x44: {  	_ =	swait.ge [sflag:s22], $0x1400  }
0x45: {  	[sflag:s22] =	ssyncset.done $0x0  }
0x46: {  	s24 =	sadd.s32 $0x2710, s24;
	[sflag:s22] =	ssyncadd.s32 $0xFFFFEC00  }
0x47: {  	[spmem:s3] =	stream.indirect.scatter.add.f32 [tilespmem:s21], [sflag:$0x2], $0x40, s24, s20, $0xb8;
	[tilespmem:$0x12A70] =	vst v63  }
0x48: {  	_ =	swait.ge [sflag:s16], $0x1400  }
0x49: {  	[sflag:s16] =	ssyncset.done $0x0  }
0x4a: {  	[sflag:s16] =	ssyncadd.s32 $0xFFFFEC00  }
0x4b: {  	[spmem:s4] =	stream.indirect.scatter.add.f32 [tilespmem:s19], [sflag:$0x2], $0x10, s24, s20, $0xb8;
	[tilespmem:$0x12A70] =	vst v63  }
0x4c: {  	_ =	swait.ge [sflag:s16], $0x500  }
0x4d: {  	[sflag:s16] =	ssyncset.done $0x0  }
0x4e: {  	[sflag:s16] =	ssyncadd.s32 $0xFFFFFB00  }
0x4f: {  	[bflag:$0x0] =	sbarrier.arrive $0xFFFF  }
0x50: {  	[hbm:s12], [sflag:s9] =	dma.local [spmem:s15], $0x1388  }
0x51: {  	s23 =	sadd.s32 $0x1, s23;
	_ =	swait.ge [sflag:s16], $0x1388  }
0x52: {  	p0 =	sne.s32 s23, s14;
	[sflag:s16] =	ssyncset.done $0x0  }
.Ltmp1:
0x53: {  	[sflag:s16] =	ssyncadd.s32 $0xFFFFEC78;
	(pc) =	sbr.rel @p0 .LBB2_1-.Ltmp1, $4  }
0x54: {  	[hbm:s13], [sflag:s9] =	dma.local [spmem:s17], $0x4E2  }
0x55: {  	_ =	swait.ge [sflag:s16], $0x4E2  }
0x56: {  	[sflag:s16] =	ssyncset.done $0x0  }
0x57: {  	[sflag:s16] =	ssyncadd.s32 $0xFFFFFB1E  }
0x58: {  	_ =	sfence.sel $0x180000  }
0x59: {  	[bflag:$0x0] =	sbarrier.arrive $0xFFFF  }
0x5a: {  	p0 =	sne.s32 s1, $0x0;
	_ =	strace $0x90000047  }
0x5b: {  	s0 =	sadd.s32 @!p0 $0x100000, s2;
	[bflag:$0x2] =	sbarrier.arrive $0xFFFF  }
0x5c: {  	[sflag:s0] =	ssyncadd.tile.s32 @!p0 $0x1;
	_ =	shalt  }
.Lfunc_end2:
_tile_overlayer_lowered:
.L_overlay_start_2:
0x5d: {  	(tag) =	ssettag $0x2  }
0x5e: {  	s0 =	rddreg [dreg:$0x0];
	s2 =	stileid.u32  }
0x5f: {  	s1 =	rddreg [dreg:$0x1];
	p0 =	sne.s32 s2, $0x0  }
0x60: {  	s3 =	rddreg [dreg:$0x2];
	[bflag:$0x3] =	sbarrier.arrive $0xFFFF;
	s2 =	simm.s32 @!p0 $0x1C02  }
0x61: {  	[timem:s3], [sflag:s2] =	dma.local @!p0 [hbm:s0], s1  }
0x62: {  	s0 =	simm.s32 @!p0 $0x2  }
0x63: {  	_ =	swait.ge @!p0 [sflag:s0], s1  }
0x64: {  	s1 =	ssub.s32 @!p0 $0x0, s1;
	[sflag:s0] =	ssyncset.done @!p0 $0x0  }
0x65: {  	[sflag:s0] =	ssyncadd.s32 @!p0 s1  }
0x66: {  	[bflag:$0x3] =	sbarrier.arrive $0xFFFF  }
0x67: {  	_ =	shalt  }

</sc_bundles>
